<compile_context>
chip_gen: v7x
topology: tpu7x:2x2x1
jax: 0.10.2.dev20260603
libtpu: 0.0.44.dev20260713+nightly
codegen_flags: <defaults>
</compile_context>

<pallas_src>
import functools

import jax
import jax.numpy as jnp
from jax import lax
from jax.experimental import pallas as pl
from jax.experimental.pallas import tpu as pltpu
from jax.experimental.pallas import tpu_sc as plsc

NUM_EMBEDDINGS = 1024
EMBEDDING_DIM = 64
COMMITMENT_COST = 0.25
N_ROWS = 8192
BATCH_PER_STEP = 2
BLOCK_ROWS = 1024 * BATCH_PER_STEP
N_BLOCKS = N_ROWS // BLOCK_ROWS

NC = 2
NS = 16
NW = NC * NS
ROWS_PER_W = N_ROWS // NW
CHUNK_ROWS = 64
N_CHUNKS = ROWS_PER_W // CHUNK_ROWS
CHUNK_WORDS = CHUNK_ROWS * NUM_EMBEDDINGS


def _vq_tc_kernel(x_ref, emb_ref, idx_ref, q_ref, loss_ref, perp_ref,
                  loss_acc, hist_acc):
    step = pl.program_id(0)
    x_cf = jnp.concatenate([x_ref[i] for i in range(BATCH_PER_STEP)], axis=1)
    emb = emb_ref[:]

    x2 = jnp.sum(x_cf * x_cf, axis=0, keepdims=True)
    e2 = jnp.sum(emb * emb, axis=1)[:, None]
    m = jax.lax.dot_general(emb, x_cf, (((1,), (0,)), ((), ())),
                            preferred_element_type=jnp.float32)
    d = (x2 + e2) - 2.0 * m

    idx = jnp.argmin(d, axis=0)
    idx_ref[:] = idx[None, None, :]
    idx_col = idx[:, None]
    iota = jax.lax.broadcasted_iota(jnp.int32, (BLOCK_ROWS, NUM_EMBEDDINGS), 1)
    onehot = (idx_col == iota).astype(jnp.float32)

    q = jax.lax.dot_general(emb, onehot, (((0,), (1,)), ((), ())),
                            preferred_element_type=jnp.float32)
    qst = x_cf + (q - x_cf)
    for i in range(BATCH_PER_STEP):
        q_ref[i] = qst[:, i * 1024:(i + 1) * 1024]

    @pl.when(step == 0)
    def _init():
        loss_acc[:] = jnp.zeros_like(loss_acc)
        hist_acc[:] = jnp.zeros_like(hist_acc)

    loss_acc[:] += jnp.sum((q - x_cf) ** 2).reshape(1, 1)
    hist_acc[:] += jnp.sum(onehot, axis=0, keepdims=True)

    @pl.when(step == N_BLOCKS - 1)
    def _fin():
        loss_ref[:] = COMMITMENT_COST * loss_acc[:] / (N_ROWS * EMBEDDING_DIM)
        p = hist_acc[:] / float(N_ROWS)
        perp_ref[:] = jnp.exp(-jnp.sum(p * jnp.log(p + 1e-10))).reshape(1, 1)


def _enc_sc_body(idx_hbm, out_hbm, idx_v, buf):
    wid = lax.axis_index("c") * NS + lax.axis_index("s")
    row0 = wid * ROWS_PER_W

    zeros16 = jnp.zeros((16,), jnp.float32)
    ones16 = jnp.ones((16,), jnp.float32)
    lane = lax.iota(jnp.int32, 16)

    def _zero(j, carry):
        for k in range(8):
            buf[pl.ds(j * 128 + k * 16, 16)] = zeros16
        return carry
    lax.fori_loop(0, CHUNK_WORDS // 128, _zero, 0)

    def _chunk(c, carry):
        base = row0 + c * CHUNK_ROWS
        pltpu.sync_copy(idx_hbm.at[pl.ds(base, CHUNK_ROWS)], idx_v)
        for g in range(CHUNK_ROWS // 16):
            iv = idx_v[pl.ds(g * 16, 16)]
            off = (g * 16 + lane) * NUM_EMBEDDINGS + iv
            plsc.store_scatter(buf, [off], ones16)
        pltpu.sync_copy(buf, out_hbm.at[pl.ds(base * NUM_EMBEDDINGS,
                                              CHUNK_WORDS)])
        for g in range(CHUNK_ROWS // 16):
            iv = idx_v[pl.ds(g * 16, 16)]
            off = (g * 16 + lane) * NUM_EMBEDDINGS + iv
            plsc.store_scatter(buf, [off], zeros16)
        return carry
    lax.fori_loop(0, N_CHUNKS, _chunk, 0)


_enc_sc_kernel = functools.partial(
    pl.kernel,
    mesh=plsc.VectorSubcoreMesh(core_axis_name="c", subcore_axis_name="s"),
    out_type=jax.ShapeDtypeStruct((N_ROWS * NUM_EMBEDDINGS,), jnp.float32),
    scratch_types=[
        pltpu.VMEM((CHUNK_ROWS,), jnp.int32),
        pltpu.VMEM((CHUNK_WORDS,), jnp.float32),
    ],
    compiler_params=pltpu.CompilerParams(needs_layout_passes=False,
                                         skip_device_barrier=True),
)(_enc_sc_body)


@functools.partial(jax.jit, static_argnames=("interpret",))
def kernel(inputs, emb_weight, interpret=False):
    x_cf = inputs.reshape(8, EMBEDDING_DIM, 1024)

    idx, q_st, loss, perp = pl.pallas_call(
        _vq_tc_kernel,
        grid=(N_BLOCKS,),
        in_specs=[
            pl.BlockSpec((BATCH_PER_STEP, EMBEDDING_DIM, 1024),
                         lambda i: (i, 0, 0)),
            pl.BlockSpec((NUM_EMBEDDINGS, EMBEDDING_DIM), lambda i: (0, 0)),
        ],
        out_specs=[
            pl.BlockSpec((1, 1, BLOCK_ROWS), lambda i: (i, 0, 0)),
            pl.BlockSpec((BATCH_PER_STEP, EMBEDDING_DIM, 1024),
                         lambda i: (i, 0, 0)),
            pl.BlockSpec((1, 1), lambda i: (0, 0)),
            pl.BlockSpec((1, 1), lambda i: (0, 0)),
        ],
        out_shape=[
            jax.ShapeDtypeStruct((N_BLOCKS, 1, BLOCK_ROWS), jnp.int32),
            jax.ShapeDtypeStruct((8, EMBEDDING_DIM, 1024), jnp.float32),
            jax.ShapeDtypeStruct((1, 1), jnp.float32),
            jax.ShapeDtypeStruct((1, 1), jnp.float32),
        ],
        scratch_shapes=[
            pltpu.VMEM((1, 1), jnp.float32),
            pltpu.VMEM((1, NUM_EMBEDDINGS), jnp.float32),
        ],
        interpret=interpret,
    )(x_cf, emb_weight)

    enc = _enc_sc_kernel(idx.reshape(N_ROWS)).reshape(N_ROWS, NUM_EMBEDDINGS)

    quantized_out = q_st.reshape(8, EMBEDDING_DIM, 32, 32)
    return (loss[0, 0], quantized_out, perp[0, 0], enc)

# --- scband reference (transcript-rebuilt; emitter-appended) ---
"""Pipeline reference for scband-vector-quantizer-ema-12687333393031 (READ-ONLY COPY).

The authoritative reference and input builder live on the scoring server;
editing this copy changes nothing except your own understanding.
"""

import jax, jax.numpy as jnp
import numpy as np

NUM_EMBEDDINGS = 1024
EMBEDDING_DIM = 64
COMMITMENT_COST = 0.25


def setup_inputs(seed: int = 0) -> dict:
    key = jax.random.key(seed)
    k1, k2 = jax.random.split(key)
    inputs = jax.random.normal(k1, (8, 64, 32, 32), dtype=jnp.float32)
    emb_weight = jax.random.normal(k2, (NUM_EMBEDDINGS, EMBEDDING_DIM), dtype=jnp.float32)
    return {"inputs": inputs, "emb_weight": emb_weight}


def reference(inputs, emb_weight):
    # permute to channel-last (B, H, W, C)
    x = jnp.transpose(inputs, (0, 2, 3, 1))
    input_shape_channel_last = x.shape
    flat_input = x.reshape(-1, EMBEDDING_DIM)

    # get_code_indices: squared L2 distances to codebook, argmin
    distances = (
        jnp.sum(flat_input ** 2, axis=1, keepdims=True)
        + jnp.sum(emb_weight ** 2, axis=1)
        - 2.0 * jnp.matmul(flat_input, emb_weight.T)
    )
    encoding_indices = jnp.argmin(distances, axis=1)

    # get_encodings: one-hot scatter (encodings[arange, idx] = 1)
    encodings = jax.nn.one_hot(encoding_indices, NUM_EMBEDDINGS, dtype=emb_weight.dtype)

    # quantize via one-hot matmul against codebook (equivalent to gather)
    quantized = jnp.matmul(encodings, emb_weight)
    quantized = quantized.reshape(input_shape_channel_last)

    # commitment loss (eval path; EMA buffer updates are stateful side effects
    # that do not affect this call's outputs)
    e_latent_loss = jnp.mean((jax.lax.stop_gradient(quantized) - x) ** 2)
    loss = COMMITMENT_COST * e_latent_loss

    # straight-through estimator
    quantized_st = x + jax.lax.stop_gradient(quantized - x)

    avg_probs = jnp.mean(encodings, axis=0)
    perplexity = jnp.exp(-jnp.sum(avg_probs * jnp.log(avg_probs + 1e-10)))

    quantized_out = jnp.transpose(quantized_st, (0, 3, 1, 2))
    return (loss, quantized_out, perplexity, encodings)

if __name__ == "__main__":
    import jax
    _d = setup_inputs()
    print(jax.jit(kernel)(*tuple(_d.values())))

</pallas_src>

<mosaic_0001>
#map = affine_map<(d0, d1) -> (0)>
module attributes {stable_mosaic.version = 14 : i64} {
  func.func @_enc_sc_body(%arg0: i32, %arg1: i32, %arg2: memref<8192xi32, #tpu.memory_space<hbm>>, %arg3: memref<8388608xf32, #tpu.memory_space<hbm>>, %arg4: memref<64xi32, #tpu.memory_space<vmem>>, %arg5: memref<65536xf32, #tpu.memory_space<vmem>>) attributes {dimension_semantics = [#tpu.dimension_semantics<core_parallel>, #tpu.dimension_semantics<subcore_parallel>], iteration_bounds = array<i64: 2, 16>, scalar_prefetch = 0 : i64, scratch_operands = 2 : i64, tpu.core_type = #tpu.core_type<sc_vector_subcore>, window_params = [{transform_indices = #map}, {transform_indices = #map}]} {
    %mul3A = arith.constant 16 : i32
    %mul3A_0 = arith.muli %arg0, %mul3A : i32
    %add3A = arith.addi %mul3A_0, %arg1 : i32
    %mul3A_1 = arith.constant 256 : i32
    %mul3A_2 = arith.muli %add3A, %mul3A_1 : i32
    %broadcast_in_dim3A = arith.constant 0.000000e+00 : f32
    %broadcast_in_dim3A_3 = vector.broadcast %broadcast_in_dim3A : f32 to vector<16xf32>
    %broadcast_in_dim3A_4 = arith.constant 1.000000e+00 : f32
    %broadcast_in_dim3A_5 = vector.broadcast %broadcast_in_dim3A_4 : f32 to vector<16xf32>
    %iota3A = tpu.iota {dimensions = array<i32: 0>} : vector<16xi32>
    %scan3A = arith.constant 0 : i32
    %scan3A_6 = arith.constant 0 : i32
    %scan3A_7 = arith.constant 512 : i32
    %scan3A_8 = arith.addi %scan3A_6, %scan3A_7 : i32
    %scan3A_9 = arith.constant 1 : i32
    scf.for %scan3A_17 = %scan3A_6 to %scan3A_8 step %scan3A_9  : i32 {
      %mul3A_18 = arith.constant 128 : i32
      %mul3A_19 = arith.muli %scan3A_17, %mul3A_18 : i32
      %add3A_20 = arith.constant 0 : i32
      %add3A_21 = arith.addi %mul3A_19, %add3A_20 : i32
      %swap3A = arith.index_cast %add3A_21 : i32 to index
      %swap3A_22 = tpu.vector_load %arg5[%swap3A] {strides = array<i32>} : memref<65536xf32, #tpu.memory_space<vmem>>, vector<16xf32>,
      tpu.vector_store %arg5[%swap3A], %broadcast_in_dim3A_3 {strides = array<i32>} : memref<65536xf32, #tpu.memory_space<vmem>>, vector<16xf32>,
      %mul3A_23 = arith.constant 128 : i32
      %mul3A_24 = arith.muli %scan3A_17, %mul3A_23 : i32
      %add3A_25 = arith.constant 16 : i32
      %add3A_26 = arith.addi %mul3A_24, %add3A_25 : i32
      %swap3A_27 = arith.index_cast %add3A_26 : i32 to index
      %swap3A_28 = tpu.vector_load %arg5[%swap3A_27] {strides = array<i32>} : memref<65536xf32, #tpu.memory_space<vmem>>, vector<16xf32>,
      tpu.vector_store %arg5[%swap3A_27], %broadcast_in_dim3A_3 {strides = array<i32>} : memref<65536xf32, #tpu.memory_space<vmem>>, vector<16xf32>,
      %mul3A_29 = arith.constant 128 : i32
      %mul3A_30 = arith.muli %scan3A_17, %mul3A_29 : i32
      %add3A_31 = arith.constant 32 : i32
      %add3A_32 = arith.addi %mul3A_30, %add3A_31 : i32
      %swap3A_33 = arith.index_cast %add3A_32 : i32 to index
      %swap3A_34 = tpu.vector_load %arg5[%swap3A_33] {strides = array<i32>} : memref<65536xf32, #tpu.memory_space<vmem>>, vector<16xf32>,
      tpu.vector_store %arg5[%swap3A_33], %broadcast_in_dim3A_3 {strides = array<i32>} : memref<65536xf32, #tpu.memory_space<vmem>>, vector<16xf32>,
      %mul3A_35 = arith.constant 128 : i32
      %mul3A_36 = arith.muli %scan3A_17, %mul3A_35 : i32
      %add3A_37 = arith.constant 48 : i32
      %add3A_38 = arith.addi %mul3A_36, %add3A_37 : i32
      %swap3A_39 = arith.index_cast %add3A_38 : i32 to index
      %swap3A_40 = tpu.vector_load %arg5[%swap3A_39] {strides = array<i32>} : memref<65536xf32, #tpu.memory_space<vmem>>, vector<16xf32>,
      tpu.vector_store %arg5[%swap3A_39], %broadcast_in_dim3A_3 {strides = array<i32>} : memref<65536xf32, #tpu.memory_space<vmem>>, vector<16xf32>,
      %mul3A_41 = arith.constant 128 : i32
      %mul3A_42 = arith.muli %scan3A_17, %mul3A_41 : i32
      %add3A_43 = arith.constant 64 : i32
      %add3A_44 = arith.addi %mul3A_42, %add3A_43 : i32
      %swap3A_45 = arith.index_cast %add3A_44 : i32 to index
      %swap3A_46 = tpu.vector_load %arg5[%swap3A_45] {strides = array<i32>} : memref<65536xf32, #tpu.memory_space<vmem>>, vector<16xf32>,
      tpu.vector_store %arg5[%swap3A_45], %broadcast_in_dim3A_3 {strides = array<i32>} : memref<65536xf32, #tpu.memory_space<vmem>>, vector<16xf32>,
      %mul3A_47 = arith.constant 128 : i32
      %mul3A_48 = arith.muli %scan3A_17, %mul3A_47 : i32
      %add3A_49 = arith.constant 80 : i32
      %add3A_50 = arith.addi %mul3A_48, %add3A_49 : i32
      %swap3A_51 = arith.index_cast %add3A_50 : i32 to index
      %swap3A_52 = tpu.vector_load %arg5[%swap3A_51] {strides = array<i32>} : memref<65536xf32, #tpu.memory_space<vmem>>, vector<16xf32>,
      tpu.vector_store %arg5[%swap3A_51], %broadcast_in_dim3A_3 {strides = array<i32>} : memref<65536xf32, #tpu.memory_space<vmem>>, vector<16xf32>,
      %mul3A_53 = arith.constant 128 : i32
      %mul3A_54 = arith.muli %scan3A_17, %mul3A_53 : i32
      %add3A_55 = arith.constant 96 : i32
      %add3A_56 = arith.addi %mul3A_54, %add3A_55 : i32
      %swap3A_57 = arith.index_cast %add3A_56 : i32 to index
      %swap3A_58 = tpu.vector_load %arg5[%swap3A_57] {strides = array<i32>} : memref<65536xf32, #tpu.memory_space<vmem>>, vector<16xf32>,
      tpu.vector_store %arg5[%swap3A_57], %broadcast_in_dim3A_3 {strides = array<i32>} : memref<65536xf32, #tpu.memory_space<vmem>>, vector<16xf32>,
      %mul3A_59 = arith.constant 128 : i32
      %mul3A_60 = arith.muli %scan3A_17, %mul3A_59 : i32
      %add3A_61 = arith.constant 112 : i32
      %add3A_62 = arith.addi %mul3A_60, %add3A_61 : i32
      %swap3A_63 = arith.index_cast %add3A_62 : i32 to index
      %swap3A_64 = tpu.vector_load %arg5[%swap3A_63] {strides = array<i32>} : memref<65536xf32, #tpu.memory_space<vmem>>, vector<16xf32>,
      tpu.vector_store %arg5[%swap3A_63], %broadcast_in_dim3A_3 {strides = array<i32>} : memref<65536xf32, #tpu.memory_space<vmem>>, vector<16xf32>,
    }
    %scan3A_10 = arith.constant 512 : i32
    %scan3A_11 = arith.constant 0 : i32
    %scan3A_12 = arith.constant 0 : i32
    %scan3A_13 = arith.constant 4 : i32
    %scan3A_14 = arith.addi %scan3A_12, %scan3A_13 : i32
    %scan3A_15 = arith.constant 1 : i32
    scf.for %scan3A_17 = %scan3A_12 to %scan3A_14 step %scan3A_15  : i32 {
      %mul3A_18 = arith.constant 64 : i32
      %mul3A_19 = arith.muli %scan3A_17, %mul3A_18 : i32
      %add3A_20 = arith.addi %mul3A_2, %mul3A_19 : i32
      "tpu.region"() ({
        %run_scoped3A = tpu.sem_alloc : memref<!tpu.dma_semaphore, #tpu.memory_space<semaphore_mem>>
        %dma_start3A = tpu.memref_slice %arg2[%add3A_20] : memref<8192xi32, #tpu.memory_space<hbm>> -> memref<64xi32, #tpu.memory_space<hbm>>
        %dma_start3A_94 = tpu.memref_slice %arg2[%add3A_20] : memref<8192xi32, #tpu.memory_space<hbm>> -> memref<64xi32, #tpu.memory_space<hbm>>
        tpu.enqueue_dma source(%dma_start3A_94 : memref<64xi32, #tpu.memory_space<hbm>>) target(%arg4 : memref<64xi32, #tpu.memory_space<vmem>>) target_semaphore(%run_scoped3A : memref<!tpu.dma_semaphore, #tpu.memory_space<semaphore_mem>>)
        %dma_wait3A = tpu.memref_slice %arg2[%add3A_20] : memref<8192xi32, #tpu.memory_space<hbm>> -> memref<64xi32, #tpu.memory_space<hbm>>
        %dma_wait3A_95 = tpu.memref_slice %arg2[%add3A_20] : memref<8192xi32, #tpu.memory_space<hbm>> -> memref<64xi32, #tpu.memory_space<hbm>>
        tpu.wait_dma2 semaphore(%run_scoped3A : memref<!tpu.dma_semaphore, #tpu.memory_space<semaphore_mem>>) src(%dma_wait3A_95 : memref<64xi32, #tpu.memory_space<hbm>>) dst(%arg4 : memref<64xi32, #tpu.memory_space<vmem>>)
        tpu.yield
      }) : () -> ()
      %get3A = arith.constant 0 : index
      %get3A_21 = tpu.vector_load %arg4[%get3A] {strides = array<i32>} : memref<64xi32, #tpu.memory_space<vmem>>, vector<16xi32>,
      %add3A_22 = arith.constant 0 : i32
      %add3A_23 = vector.broadcast %add3A_22 : i32 to vector<16xi32>
      %add3A_24 = arith.addi %add3A_23, %iota3A : vector<16xi32>
      %mul3A_25 = arith.constant 1024 : i32
      %mul3A_26 = vector.broadcast %mul3A_25 : i32 to vector<16xi32>
      %mul3A_27 = arith.muli %add3A_24, %mul3A_26 : vector<16xi32>
      %add3A_28 = arith.addi %mul3A_27, %get3A_21 : vector<16xi32>
      tpu.vector_store_idx %arg5[%add3A_28], %broadcast_in_dim3A_5 : memref<65536xf32, #tpu.memory_space<vmem>>[vector<16xi32>], vector<16xf32>,
      %get3A_29 = arith.constant 16 : index
      %get3A_30 = tpu.vector_load %arg4[%get3A_29] {strides = array<i32>} : memref<64xi32, #tpu.memory_space<vmem>>, vector<16xi32>,
      %add3A_31 = arith.constant 16 : i32
      %add3A_32 = vector.broadcast %add3A_31 : i32 to vector<16xi32>
      %add3A_33 = arith.addi %add3A_32, %iota3A : vector<16xi32>
      %mul3A_34 = arith.constant 1024 : i32
      %mul3A_35 = vector.broadcast %mul3A_34 : i32 to vector<16xi32>
      %mul3A_36 = arith.muli %add3A_33, %mul3A_35 : vector<16xi32>
      %add3A_37 = arith.addi %mul3A_36, %get3A_30 : vector<16xi32>
      tpu.vector_store_idx %arg5[%add3A_37], %broadcast_in_dim3A_5 : memref<65536xf32, #tpu.memory_space<vmem>>[vector<16xi32>], vector<16xf32>,
      %get3A_38 = arith.constant 32 : index
      %get3A_39 = tpu.vector_load %arg4[%get3A_38] {strides = array<i32>} : memref<64xi32, #tpu.memory_space<vmem>>, vector<16xi32>,
      %add3A_40 = arith.constant 32 : i32
      %add3A_41 = vector.broadcast %add3A_40 : i32 to vector<16xi32>
      %add3A_42 = arith.addi %add3A_41, %iota3A : vector<16xi32>
      %mul3A_43 = arith.constant 1024 : i32
      %mul3A_44 = vector.broadcast %mul3A_43 : i32 to vector<16xi32>
      %mul3A_45 = arith.muli %add3A_42, %mul3A_44 : vector<16xi32>
      %add3A_46 = arith.addi %mul3A_45, %get3A_39 : vector<16xi32>
      tpu.vector_store_idx %arg5[%add3A_46], %broadcast_in_dim3A_5 : memref<65536xf32, #tpu.memory_space<vmem>>[vector<16xi32>], vector<16xf32>,
      %get3A_47 = arith.constant 48 : index
      %get3A_48 = tpu.vector_load %arg4[%get3A_47] {strides = array<i32>} : memref<64xi32, #tpu.memory_space<vmem>>, vector<16xi32>,
      %add3A_49 = arith.constant 48 : i32
      %add3A_50 = vector.broadcast %add3A_49 : i32 to vector<16xi32>
      %add3A_51 = arith.addi %add3A_50, %iota3A : vector<16xi32>
      %mul3A_52 = arith.constant 1024 : i32
      %mul3A_53 = vector.broadcast %mul3A_52 : i32 to vector<16xi32>
      %mul3A_54 = arith.muli %add3A_51, %mul3A_53 : vector<16xi32>
      %add3A_55 = arith.addi %mul3A_54, %get3A_48 : vector<16xi32>
      tpu.vector_store_idx %arg5[%add3A_55], %broadcast_in_dim3A_5 : memref<65536xf32, #tpu.memory_space<vmem>>[vector<16xi32>], vector<16xf32>,
      %mul3A_56 = arith.constant 1024 : i32
      %mul3A_57 = arith.muli %add3A_20, %mul3A_56 : i32
      "tpu.region"() ({
        %run_scoped3A = tpu.sem_alloc : memref<!tpu.dma_semaphore, #tpu.memory_space<semaphore_mem>>
        %dma_start3A = tpu.memref_slice %arg3[%mul3A_57] : memref<8388608xf32, #tpu.memory_space<hbm>> -> memref<65536xf32, #tpu.memory_space<hbm>>
        %dma_start3A_94 = tpu.memref_slice %arg3[%mul3A_57] : memref<8388608xf32, #tpu.memory_space<hbm>> -> memref<65536xf32, #tpu.memory_space<hbm>>
        tpu.enqueue_dma source(%arg5 : memref<65536xf32, #tpu.memory_space<vmem>>) target(%dma_start3A_94 : memref<65536xf32, #tpu.memory_space<hbm>>) target_semaphore(%run_scoped3A : memref<!tpu.dma_semaphore, #tpu.memory_space<semaphore_mem>>)
        %dma_wait3A = tpu.memref_slice %arg3[%mul3A_57] : memref<8388608xf32, #tpu.memory_space<hbm>> -> memref<65536xf32, #tpu.memory_space<hbm>>
        %dma_wait3A_95 = tpu.memref_slice %arg3[%mul3A_57] : memref<8388608xf32, #tpu.memory_space<hbm>> -> memref<65536xf32, #tpu.memory_space<hbm>>
        tpu.wait_dma2 semaphore(%run_scoped3A : memref<!tpu.dma_semaphore, #tpu.memory_space<semaphore_mem>>) src(%arg5 : memref<65536xf32, #tpu.memory_space<vmem>>) dst(%dma_wait3A_95 : memref<65536xf32, #tpu.memory_space<hbm>>)
        tpu.yield
      }) : () -> ()
      %get3A_58 = arith.constant 0 : index
      %get3A_59 = tpu.vector_load %arg4[%get3A_58] {strides = array<i32>} : memref<64xi32, #tpu.memory_space<vmem>>, vector<16xi32>,
      %add3A_60 = arith.constant 0 : i32
      %add3A_61 = vector.broadcast %add3A_60 : i32 to vector<16xi32>
      %add3A_62 = arith.addi %add3A_61, %iota3A : vector<16xi32>
      %mul3A_63 = arith.constant 1024 : i32
      %mul3A_64 = vector.broadcast %mul3A_63 : i32 to vector<16xi32>
      %mul3A_65 = arith.muli %add3A_62, %mul3A_64 : vector<16xi32>
      %add3A_66 = arith.addi %mul3A_65, %get3A_59 : vector<16xi32>
      tpu.vector_store_idx %arg5[%add3A_66], %broadcast_in_dim3A_3 : memref<65536xf32, #tpu.memory_space<vmem>>[vector<16xi32>], vector<16xf32>,
      %get3A_67 = arith.constant 16 : index
      %get3A_68 = tpu.vector_load %arg4[%get3A_67] {strides = array<i32>} : memref<64xi32, #tpu.memory_space<vmem>>, vector<16xi32>,
      %add3A_69 = arith.constant 16 : i32
      %add3A_70 = vector.broadcast %add3A_69 : i32 to vector<16xi32>
      %add3A_71 = arith.addi %add3A_70, %iota3A : vector<16xi32>
      %mul3A_72 = arith.constant 1024 : i32
      %mul3A_73 = vector.broadcast %mul3A_72 : i32 to vector<16xi32>
      %mul3A_74 = arith.muli %add3A_71, %mul3A_73 : vector<16xi32>
      %add3A_75 = arith.addi %mul3A_74, %get3A_68 : vector<16xi32>
      tpu.vector_store_idx %arg5[%add3A_75], %broadcast_in_dim3A_3 : memref<65536xf32, #tpu.memory_space<vmem>>[vector<16xi32>], vector<16xf32>,
      %get3A_76 = arith.constant 32 : index
      %get3A_77 = tpu.vector_load %arg4[%get3A_76] {strides = array<i32>} : memref<64xi32, #tpu.memory_space<vmem>>, vector<16xi32>,
      %add3A_78 = arith.constant 32 : i32
      %add3A_79 = vector.broadcast %add3A_78 : i32 to vector<16xi32>
      %add3A_80 = arith.addi %add3A_79, %iota3A : vector<16xi32>
      %mul3A_81 = arith.constant 1024 : i32
      %mul3A_82 = vector.broadcast %mul3A_81 : i32 to vector<16xi32>
      %mul3A_83 = arith.muli %add3A_80, %mul3A_82 : vector<16xi32>
      %add3A_84 = arith.addi %mul3A_83, %get3A_77 : vector<16xi32>
      tpu.vector_store_idx %arg5[%add3A_84], %broadcast_in_dim3A_3 : memref<65536xf32, #tpu.memory_space<vmem>>[vector<16xi32>], vector<16xf32>,
      %get3A_85 = arith.constant 48 : index
      %get3A_86 = tpu.vector_load %arg4[%get3A_85] {strides = array<i32>} : memref<64xi32, #tpu.memory_space<vmem>>, vector<16xi32>,
      %add3A_87 = arith.constant 48 : i32
      %add3A_88 = vector.broadcast %add3A_87 : i32 to vector<16xi32>
      %add3A_89 = arith.addi %add3A_88, %iota3A : vector<16xi32>
      %mul3A_90 = arith.constant 1024 : i32
      %mul3A_91 = vector.broadcast %mul3A_90 : i32 to vector<16xi32>
      %mul3A_92 = arith.muli %add3A_89, %mul3A_91 : vector<16xi32>
      %add3A_93 = arith.addi %mul3A_92, %get3A_86 : vector<16xi32>
      tpu.vector_store_idx %arg5[%add3A_93], %broadcast_in_dim3A_3 : memref<65536xf32, #tpu.memory_space<vmem>>[vector<16xi32>], vector<16xf32>,
    }
    %scan3A_16 = arith.constant 4 : i32
    return
  }
}

module attributes {stable_mosaic.version = 14 : i64} {
  func.func @_vq_tc_kernel(%arg0: i32, %arg1: memref<2x64x1024xf32, #tpu.memory_space<vmem>>, %arg2: memref<1024x64xf32, #tpu.memory_space<vmem>>, %arg3: memref<1x1x2048xi32, #tpu.memory_space<vmem>>, %arg4: memref<2x64x1024xf32, #tpu.memory_space<vmem>>, %arg5: memref<1x1xf32, #tpu.memory_space<vmem>>, %arg6: memref<1x1xf32, #tpu.memory_space<vmem>>, %arg7: memref<1x1xf32, #tpu.memory_space<vmem>>, %arg8: memref<1x1024xf32, #tpu.memory_space<vmem>>) attributes {dimension_semantics = [#tpu.dimension_semantics<arbitrary>], iteration_bounds = array<i64: 4>, scalar_prefetch = 0 : i64, scratch_operands = 2 : i64, tpu.core_type = #tpu.core_type<tc>, window_params = [{transform_indices = @transform_0, window_bounds = array<i64: 2, 64, 1024>}, {pipeline_mode = #tpu.pipeline_mode<synchronous>, transform_indices = @transform_1, window_bounds = array<i64: 1024, 64>}, {transform_indices = @transform_2, window_bounds = array<i64: 1, 1, 2048>}, {transform_indices = @transform_3, window_bounds = array<i64: 2, 64, 1024>}, {pipeline_mode = #tpu.pipeline_mode<synchronous>, transform_indices = @transform_4, window_bounds = array<i64: 1, 1>}, {pipeline_mode = #tpu.pipeline_mode<synchronous>, transform_indices = @transform_5, window_bounds = array<i64: 1, 1>}]} {
    %get3A = arith.constant 0 : index
    %get3A_0 = arith.constant 0 : index
    %get3A_1 = arith.constant 0 : index
    %get3A_2 = vector.load %arg1[%get3A, %get3A_0, %get3A_1] : memref<2x64x1024xf32, #tpu.memory_space<vmem>>, vector<1x64x1024xf32>
    %get3A_3 = vector.shape_cast %get3A_2 : vector<1x64x1024xf32> to vector<64x1024xf32>
    %get3A_4 = arith.constant 1 : index
    %get3A_5 = arith.constant 0 : index
    %get3A_6 = arith.constant 0 : index
    %get3A_7 = vector.load %arg1[%get3A_4, %get3A_5, %get3A_6] : memref<2x64x1024xf32, #tpu.memory_space<vmem>>, vector<1x64x1024xf32>
    %get3A_8 = vector.shape_cast %get3A_7 : vector<1x64x1024xf32> to vector<64x1024xf32>
    %concatenate3A = tpu.concatenate %get3A_3, %get3A_8 in 1 : vector<64x1024xf32>, vector<64x1024xf32> -> vector<64x2048xf32>
    %get3A_9 = arith.constant 0 : index
    %get3A_10 = arith.constant 0 : index
    %get3A_11 = vector.load %arg2[%get3A_9, %get3A_10] : memref<1024x64xf32, #tpu.memory_space<vmem>>, vector<1024x64xf32>
    %mul3A = arith.mulf %concatenate3A, %concatenate3A : vector<64x2048xf32>
    %reduce_sum3A = arith.constant dense<0.000000e+00> : vector<2048xf32>
    %reduce_sum3A_12 = vector.multi_reduction <add>, %mul3A, %reduce_sum3A [0] : vector<64x2048xf32> to vector<2048xf32>
    %broadcast_in_dim3A = vector.shape_cast %reduce_sum3A_12 : vector<2048xf32> to vector<1x2048xf32>
    %mul3A_13 = arith.mulf %get3A_11, %get3A_11 : vector<1024x64xf32>
    %reduce_sum3A_14 = arith.constant dense<0.000000e+00> : vector<1024xf32>
    %reduce_sum3A_15 = vector.multi_reduction <add>, %mul3A_13, %reduce_sum3A_14 [1] : vector<1024x64xf32> to vector<1024xf32>
    %broadcast_in_dim3A_16 = vector.shape_cast %reduce_sum3A_15 : vector<1024xf32> to vector<1024x1xf32>
    %dot_general3A = arith.constant dense<0.000000e+00> : vector<1024x2048xf32>
    %dot_general3A_17 = tpu.matmul %get3A_11, %concatenate3A, %dot_general3A {dimension_numbers = #tpu.dot_dimension_numbers<[1], [0], [0], [1], [0, 0, 1, 1], [], []>, transpose_lhs_hint = false} : vector<1024x64xf32>, vector<64x2048xf32>, vector<1024x2048xf32> -> vector<1024x2048xf32>
    %add3A = vector.broadcast %broadcast_in_dim3A : vector<1x2048xf32> to vector<1024x2048xf32>
    %add3A_18 = vector.broadcast %broadcast_in_dim3A_16 : vector<1024x1xf32> to vector<1024x2048xf32>
    %add3A_19 = arith.addf %add3A, %add3A_18 : vector<1024x2048xf32>
    %mul3A_20 = arith.constant 2.000000e+00 : f32
    %mul3A_21 = vector.broadcast %mul3A_20 : f32 to vector<1024x2048xf32>
    %mul3A_22 = arith.mulf %mul3A_21, %dot_general3A_17 : vector<1024x2048xf32>
    %sub3A = arith.subf %add3A_19, %mul3A_22 : vector<1024x2048xf32>
    %argmin3A = tpu.reduce_index %sub3A {axis = 0 : i32, kind = #tpu.reduction_kind<arg_min>} : vector<1024x2048xf32> -> vector<2048xi32>
    %broadcast_in_dim3A_23 = vector.shape_cast %argmin3A : vector<2048xi32> to vector<1x1x2048xi32>
    %swap3A = arith.constant 0 : index
    %swap3A_24 = arith.constant 0 : index
    %swap3A_25 = arith.constant 0 : index
    %swap3A_26 = vector.load %arg3[%swap3A, %swap3A_24, %swap3A_25] : memref<1x1x2048xi32, #tpu.memory_space<vmem>>, vector<1x1x2048xi32>
    tpu.vector_store %arg3[%swap3A, %swap3A_24, %swap3A_25], %broadcast_in_dim3A_23 {strides = array<i32>} : memref<1x1x2048xi32, #tpu.memory_space<vmem>>, vector<1x1x2048xi32>,
    %broadcast_in_dim3A_27 = vector.shape_cast %argmin3A : vector<2048xi32> to vector<2048x1xi32>
    %iota3A = tpu.iota {dimensions = array<i32: 1>} : vector<2048x1024xi32>
    %eq3A = vector.broadcast %broadcast_in_dim3A_27 : vector<2048x1xi32> to vector<2048x1024xi32>
    %eq3A_28 = arith.cmpi eq, %eq3A, %iota3A : vector<2048x1024xi32>
    %convert_element_type3A = arith.extui %eq3A_28 : vector<2048x1024xi1> to vector<2048x1024xi32>
    %convert_element_type3A_29 = arith.sitofp %convert_element_type3A : vector<2048x1024xi32> to vector<2048x1024xf32>
    %dot_general3A_30 = arith.constant dense<0.000000e+00> : vector<64x2048xf32>
    %dot_general3A_31 = tpu.matmul %get3A_11, %convert_element_type3A_29, %dot_general3A_30 {dimension_numbers = #tpu.dot_dimension_numbers<[0], [1], [1], [0], [0, 1, 1, 0], [], []>, transpose_lhs_hint = false} : vector<1024x64xf32>, vector<2048x1024xf32>, vector<64x2048xf32> -> vector<64x2048xf32>
    %sub3A_32 = arith.subf %dot_general3A_31, %concatenate3A : vector<64x2048xf32>
    %add3A_33 = arith.addf %concatenate3A, %sub3A_32 : vector<64x2048xf32>
    %slice3A = vector.extract_strided_slice %add3A_33 {offsets = [0, 0], sizes = [64, 1024], strides = [1, 1]} : vector<64x2048xf32> to vector<64x1024xf32>
    %swap3A_34 = arith.constant 0 : index
    %swap3A_35 = arith.constant 0 : index
    %swap3A_36 = arith.constant 0 : index
    %swap3A_37 = vector.load %arg4[%swap3A_34, %swap3A_35, %swap3A_36] : memref<2x64x1024xf32, #tpu.memory_space<vmem>>, vector<1x64x1024xf32>
    %swap3A_38 = vector.shape_cast %swap3A_37 : vector<1x64x1024xf32> to vector<64x1024xf32>
    %swap3A_39 = vector.shape_cast %slice3A : vector<64x1024xf32> to vector<1x64x1024xf32>
    tpu.vector_store %arg4[%swap3A_34, %swap3A_35, %swap3A_36], %swap3A_39 {strides = array<i32>} : memref<2x64x1024xf32, #tpu.memory_space<vmem>>, vector<1x64x1024xf32>,
    %slice3A_40 = vector.extract_strided_slice %add3A_33 {offsets = [0, 1024], sizes = [64, 1024], strides = [1, 1]} : vector<64x2048xf32> to vector<64x1024xf32>
    %swap3A_41 = arith.constant 1 : index
    %swap3A_42 = arith.constant 0 : index
    %swap3A_43 = arith.constant 0 : index
    %swap3A_44 = vector.load %arg4[%swap3A_41, %swap3A_42, %swap3A_43] : memref<2x64x1024xf32, #tpu.memory_space<vmem>>, vector<1x64x1024xf32>
    %swap3A_45 = vector.shape_cast %swap3A_44 : vector<1x64x1024xf32> to vector<64x1024xf32>
    %swap3A_46 = vector.shape_cast %slice3A_40 : vector<64x1024xf32> to vector<1x64x1024xf32>
    tpu.vector_store %arg4[%swap3A_41, %swap3A_42, %swap3A_43], %swap3A_46 {strides = array<i32>} : memref<2x64x1024xf32, #tpu.memory_space<vmem>>, vector<1x64x1024xf32>,
    %eq3A_47 = arith.constant 0 : i32
    %eq3A_48 = arith.cmpi eq, %arg0, %eq3A_47 : i32
    %convert_element_type3A_49 = arith.extui %eq3A_48 : i1 to i32
    %cond3A = arith.constant 0 : i32
    %cond3A_50 = arith.cmpi ne, %convert_element_type3A_49, %cond3A : i32
    scf.if %cond3A_50 {
      %broadcast_in_dim3A_79 = arith.constant 0.000000e+00 : f32
      %broadcast_in_dim3A_80 = vector.broadcast %broadcast_in_dim3A_79 : f32 to vector<1x1xf32>
      %swap3A_81 = arith.constant 0 : index
      %swap3A_82 = arith.constant 0 : index
      %swap3A_83 = vector.load %arg7[%swap3A_81, %swap3A_82] : memref<1x1xf32, #tpu.memory_space<vmem>>, vector<1x1xf32>
      tpu.vector_store %arg7[%swap3A_81, %swap3A_82], %broadcast_in_dim3A_80 {strides = array<i32>} : memref<1x1xf32, #tpu.memory_space<vmem>>, vector<1x1xf32>,
      %broadcast_in_dim3A_84 = arith.constant 0.000000e+00 : f32
      %broadcast_in_dim3A_85 = vector.broadcast %broadcast_in_dim3A_84 : f32 to vector<1x1024xf32>
      %swap3A_86 = arith.constant 0 : index
      %swap3A_87 = arith.constant 0 : index
      %swap3A_88 = vector.load %arg8[%swap3A_86, %swap3A_87] : memref<1x1024xf32, #tpu.memory_space<vmem>>, vector<1x1024xf32>
      tpu.vector_store %arg8[%swap3A_86, %swap3A_87], %broadcast_in_dim3A_85 {strides = array<i32>} : memref<1x1024xf32, #tpu.memory_space<vmem>>, vector<1x1024xf32>,
    } else {
    }
    %get3A_51 = arith.constant 0 : index
    %get3A_52 = arith.constant 0 : index
    %get3A_53 = vector.load %arg7[%get3A_51, %get3A_52] : memref<1x1xf32, #tpu.memory_space<vmem>>, vector<1x1xf32>
    %sub3A_54 = arith.subf %dot_general3A_31, %concatenate3A : vector<64x2048xf32>
    %integer_pow3A = arith.mulf %sub3A_54, %sub3A_54 : vector<64x2048xf32>
    %reduce_sum3A_55 = vector.shape_cast %integer_pow3A : vector<64x2048xf32> to vector<1x64x2048xf32>
    %reduce_sum3A_56 = arith.constant dense<0.000000e+00> : vector<1xf32>
    %reduce_sum3A_57 = vector.multi_reduction <add>, %reduce_sum3A_55, %reduce_sum3A_56 [1, 2] : vector<1x64x2048xf32> to vector<1xf32>
    %reduce_sum3A_58 = vector.shape_cast %reduce_sum3A_57 : vector<1xf32> to vector<1x1x1xf32>
    %reduce_sum3A_59 = vector.extract %reduce_sum3A_58[0, 0, 0] : f32 from vector<1x1x1xf32>
    %reshape3A = vector.broadcast %reduce_sum3A_59 : f32 to vector<1x1xf32>
    %add3A_60 = arith.addf %get3A_53, %reshape3A : vector<1x1xf32>
    %swap3A_61 = arith.constant 0 : index
    %swap3A_62 = arith.constant 0 : index
    %swap3A_63 = vector.load %arg7[%swap3A_61, %swap3A_62] : memref<1x1xf32, #tpu.memory_space<vmem>>, vector<1x1xf32>
    tpu.vector_store %arg7[%swap3A_61, %swap3A_62], %add3A_60 {strides = array<i32>} : memref<1x1xf32, #tpu.memory_space<vmem>>, vector<1x1xf32>,
    %get3A_64 = arith.constant 0 : index
    %get3A_65 = arith.constant 0 : index
    %get3A_66 = vector.load %arg8[%get3A_64, %get3A_65] : memref<1x1024xf32, #tpu.memory_space<vmem>>, vector<1x1024xf32>
    %reduce_sum3A_67 = arith.constant dense<0.000000e+00> : vector<1024xf32>
    %reduce_sum3A_68 = vector.multi_reduction <add>, %convert_element_type3A_29, %reduce_sum3A_67 [0] : vector<2048x1024xf32> to vector<1024xf32>
    %broadcast_in_dim3A_69 = vector.shape_cast %reduce_sum3A_68 : vector<1024xf32> to vector<1x1024xf32>
    %add3A_70 = arith.addf %get3A_66, %broadcast_in_dim3A_69 : vector<1x1024xf32>
    %swap3A_71 = arith.constant 0 : index
    %swap3A_72 = arith.constant 0 : index
    %swap3A_73 = vector.load %arg8[%swap3A_71, %swap3A_72] : memref<1x1024xf32, #tpu.memory_space<vmem>>, vector<1x1024xf32>
    tpu.vector_store %arg8[%swap3A_71, %swap3A_72], %add3A_70 {strides = array<i32>} : memref<1x1024xf32, #tpu.memory_space<vmem>>, vector<1x1024xf32>,
    %eq3A_74 = arith.constant 3 : i32
    %eq3A_75 = arith.cmpi eq, %arg0, %eq3A_74 : i32
    %convert_element_type3A_76 = arith.extui %eq3A_75 : i1 to i32
    %cond3A_77 = arith.constant 0 : i32
    %cond3A_78 = arith.cmpi ne, %convert_element_type3A_76, %cond3A_77 : i32
    scf.if %cond3A_78 {
      %get3A_79 = arith.constant 0 : index
      %get3A_80 = arith.constant 0 : index
      %get3A_81 = vector.load %arg7[%get3A_79, %get3A_80] : memref<1x1xf32, #tpu.memory_space<vmem>>, vector<1x1xf32>
      %mul3A_82 = arith.constant 2.500000e-01 : f32
      %mul3A_83 = vector.broadcast %mul3A_82 : f32 to vector<1x1xf32>
      %mul3A_84 = arith.mulf %mul3A_83, %get3A_81 : vector<1x1xf32>
      %div3A = arith.constant 5.242880e+05 : f32
      %div3A_85 = vector.broadcast %div3A : f32 to vector<1x1xf32>
      %div3A_86 = arith.divf %mul3A_84, %div3A_85 : vector<1x1xf32>
      %swap3A_87 = arith.constant 0 : index
      %swap3A_88 = arith.constant 0 : index
      %swap3A_89 = vector.load %arg5[%swap3A_87, %swap3A_88] : memref<1x1xf32, #tpu.memory_space<vmem>>, vector<1x1xf32>
      tpu.vector_store %arg5[%swap3A_87, %swap3A_88], %div3A_86 {strides = array<i32>} : memref<1x1xf32, #tpu.memory_space<vmem>>, vector<1x1xf32>,
      %get3A_90 = arith.constant 0 : index
      %get3A_91 = arith.constant 0 : index
      %get3A_92 = vector.load %arg8[%get3A_90, %get3A_91] : memref<1x1024xf32, #tpu.memory_space<vmem>>, vector<1x1024xf32>
      %div3A_93 = arith.constant 8.192000e+03 : f32
      %div3A_94 = vector.broadcast %div3A_93 : f32 to vector<1x1024xf32>
      %div3A_95 = arith.divf %get3A_92, %div3A_94 : vector<1x1024xf32>
      %add3A_96 = arith.constant 1.000000e-10 : f32
      %add3A_97 = vector.broadcast %add3A_96 : f32 to vector<1x1024xf32>
      %add3A_98 = arith.addf %div3A_95, %add3A_97 : vector<1x1024xf32>
      %log3A = math.log %add3A_98 : vector<1x1024xf32>
      %mul3A_99 = arith.mulf %div3A_95, %log3A : vector<1x1024xf32>
      %reduce_sum3A_100 = vector.shape_cast %mul3A_99 : vector<1x1024xf32> to vector<1x1x1024xf32>
      %reduce_sum3A_101 = arith.constant dense<0.000000e+00> : vector<1xf32>
      %reduce_sum3A_102 = vector.multi_reduction <add>, %reduce_sum3A_100, %reduce_sum3A_101 [1, 2] : vector<1x1x1024xf32> to vector<1xf32>
      %reduce_sum3A_103 = vector.shape_cast %reduce_sum3A_102 : vector<1xf32> to vector<1x1x1xf32>
      %reduce_sum3A_104 = vector.extract %reduce_sum3A_103[0, 0, 0] : f32 from vector<1x1x1xf32>
      %neg3A = arith.constant 0.000000e+00 : f32
      %neg3A_105 = arith.subf %neg3A, %reduce_sum3A_104 : f32
      %exp3A = math.exp %neg3A_105 : f32
      %reshape3A_106 = vector.broadcast %exp3A : f32 to vector<1x1xf32>
      %swap3A_107 = arith.constant 0 : index
      %swap3A_108 = arith.constant 0 : index
      %swap3A_109 = vector.load %arg6[%swap3A_107, %swap3A_108] : memref<1x1xf32, #tpu.memory_space<vmem>>, vector<1x1xf32>
      tpu.vector_store %arg6[%swap3A_107, %swap3A_108], %reshape3A_106 {strides = array<i32>} : memref<1x1xf32, #tpu.memory_space<vmem>>, vector<1x1xf32>,
    } else {
    }
    return
  }
  func.func @transform_0(%arg0: i32) -> (i32, i32, i32) {
    %c0_i32 = arith.constant 0 : i32
    %c0_i32_0 = arith.constant 0 : i32
    %c0_i32_1 = arith.constant 0 : i32
    return %arg0, %c0_i32, %c0_i32_0 : i32, i32, i32
  }
  func.func @transform_1(%arg0: i32) -> (i32, i32) {
    %c0_i32 = arith.constant 0 : i32
    %c0_i32_0 = arith.constant 0 : i32
    %c0_i32_1 = arith.constant 0 : i32
    return %c0_i32, %c0_i32_0 : i32, i32
  }
  func.func @transform_2(%arg0: i32) -> (i32, i32, i32) {
    %c0_i32 = arith.constant 0 : i32
    %c0_i32_0 = arith.constant 0 : i32
    %c0_i32_1 = arith.constant 0 : i32
    return %arg0, %c0_i32, %c0_i32_0 : i32, i32, i32
  }
  func.func @transform_3(%arg0: i32) -> (i32, i32, i32) {
    %c0_i32 = arith.constant 0 : i32
    %c0_i32_0 = arith.constant 0 : i32
    %c0_i32_1 = arith.constant 0 : i32
    return %arg0, %c0_i32, %c0_i32_0 : i32, i32, i32
  }
  func.func @transform_4(%arg0: i32) -> (i32, i32) {
    %c0_i32 = arith.constant 0 : i32
    %c0_i32_0 = arith.constant 0 : i32
    %c0_i32_1 = arith.constant 0 : i32
    return %c0_i32, %c0_i32_0 : i32, i32
  }
  func.func @transform_5(%arg0: i32) -> (i32, i32) {
    %c0_i32 = arith.constant 0 : i32
    %c0_i32_0 = arith.constant 0 : i32
    %c0_i32_1 = arith.constant 0 : i32
    return %c0_i32, %c0_i32_0 : i32, i32
  }
}

</mosaic_0001>

<sc_bundles>
// kernel: kernel.4.cloned.1.call-start
scs
__scs_entry_jumppad:
0x0: {  	(pc) =	sbr.rel $0x88, $3  }
0x1: {  	(tag) =	ssettag $0x0;
	lr =	simm.s32 $0x1  }
0x2: {  	[smem:$0x3F9F] =	sst lr;
	_ =	strace $0xD0000000  }
0x3: {  	_ = 	snop  }
0x4: {  	_ = 	snop  }
0x5: {  	_ = 	snop  }
0x6: {  	_ = 	snop  }
0x7: {  	_ = 	snop  }
__scs_overlays_trampoline_lowered:
0x8: {  	[smem:$0x3FAE] =	sst s0  }
0x9: {  	[smem:$0x3FAF] =	sst s1  }
0xa: {  	[smem:$0x3FB0] =	sst s2  }
0xb: {  	[smem:$0x3FB1] =	sst s3  }
0xc: {  	[smem:$0x3FB2] =	sst s4  }
0xd: {  	[smem:$0x3FB3] =	sst s5  }
0xe: {  	[smem:$0x3FB4] =	sst s6  }
0xf: {  	[smem:$0x3FB5] =	sst s7  }
0x10: {  	[smem:$0x3FB6] =	sst s8  }
0x11: {  	[smem:$0x3FB7] =	sst s9;
	s0 =	simm.s32 @!p0 $0x0  }
0x12: {  	s1 =	sld [smem:$0x3F9D];
	s0 =	simm.s32 @p0 $0x1  }
0x13: {  	[smem:$0x3FB8] =	sst s0;
	s0 =	simm.s32 @!p1 $0x0  }
0x14: {  	s2 =	sld [smem:$0x3F9C];
	s0 =	simm.s32 @p1 $0x1  }
0x15: {  	[smem:$0x3FB9] =	sst s0;
	s0 =	simm.s32 @!p2 $0x0  }
0x16: {  	s3 =	sld [smem:$0x3FDB];
	s0 =	simm.s32 @p2 $0x1  }
0x17: {  	s4 =	simm.s32 $0x1BF5;
	[smem:$0x3FBB] =	sst s0  }
0x18: {  	s0 =	sld [smem:$0x3F9E];
	_ =	swait.ge [sflag:s4], $0x0  }
0x19: {  	s7 =	sld [smem:$0x3F9F]  }
0x1a: {  	s8 =	sadd.s32 $0xFFFFE003, lr  }
0x1b: {  	s9 =	sadd.s32 $0xFFFFFEF7, lr;
	s5 =	simm.s32 $0xFFFFFFFF;
	p2 =	slt.u32 s8, $0xFFFFF086  }
0x1c: {  	p1 =	slt.u32 s9, $0xF7A;
	s5 =	simm.s32 @!p2 $0x0  }
0x1d: {  	s5 =	simm.s32 @p1 $0x1;
	p0 =	seq.s32 s7, s2  }
0x1e: {  	s7 =	smul.u32 @!p0 $0xF7A, s2;
	p2 =	seq.s32 @!p0 s5, $0x0  }
0x1f: {  	s9 =	smul.u32 $0xF7A, s1;
	s8 =	simm.s32 @!p0 $0x1BF5;
	p2 =	por !p2, p0  }
0x20: {  	[sflag:s8] =	ssyncset.s32 @!p0 $0xFFFFF086;
	s6 =	sadd.s32 @!p0 s3, s7;
	s7 =	simm.s32 @!p0 $0x108  }
0x21: {  	s3 =	sadd.s32 s3, s9;
	s6 =	sadd.s32 @!p0 $0x88, s6;
	s7 =	simm.s32 @p2 $0x1082  }
0x22: {  	[simem:s7], [sflag:s8] =	dma.local @!p0 [hbm:s6], $0xF7A  }
0x23: {  	s9 =	sor.u32 $0xD0000000, s2;
	s6 =	simm.s32 $0x108;
	_ =	swait.ge @!p0 [sflag:s8], $0x0  }
0x24: {  	s3 =	sadd.s32 $0x88, s3;
	s6 =	simm.s32 @!p1 $0x1082;
	[sflag:s4] =	ssyncset.s32 $0xFFFFF086  }
0x25: {  	[simem:s6], [sflag:s4] =	dma.local [hbm:s3], $0xF7A  }
0x26: {  	[smem:$0x3F9F] =	sst s1;
	(tag) =	ssettag s2;
	_ =	strace s9  }
0x27: {  	s1 =	sld [smem:$0x3FAF]  }
0x28: {  	s2 =	sld [smem:$0x3FB0]  }
0x29: {  	s4 =	sld [smem:$0x3FB2]  }
0x2a: {  	p0 =	seq.s32 s5, $0x0;
	s5 =	sld [smem:$0x3FB3]  }
0x2b: {  	s6 =	sld [smem:$0x3FB4]  }
0x2c: {  	s7 =	sld [smem:$0x3FB5]  }
0x2d: {  	s3 =	simm.s32 $0x108;
	s8 =	sld [smem:$0x3FB6]  }
0x2e: {  	s3 =	simm.s32 @!p0 $0x1082;
	s9 =	sld [smem:$0x3FB7]  }
0x2f: {  	lr =	sadd.s32 s0, s3;
	s0 =	sld [smem:$0x3FAE]  }
0x30: {  	s3 =	sld [smem:$0x3FB1]  }
0x31: {  	[smem:$0x3FBA] =	sst s10  }
0x32: {  	s10 =	sld [smem:$0x3FB8];
	_ =	sdelay $0x3  }
0x33: {  	p0 =	seq.s32 s10, $0x1;
	s10 =	sld [smem:$0x3FBA];
	_ =	sdelay $0x3  }
0x34: {  	[smem:$0x3FBA] =	sst s10  }
0x35: {  	s10 =	sld [smem:$0x3FB9];
	_ =	sdelay $0x3  }
0x36: {  	p1 =	seq.s32 s10, $0x1;
	s10 =	sld [smem:$0x3FBA];
	_ =	sdelay $0x3  }
0x37: {  	[smem:$0x3FBA] =	sst s10  }
0x38: {  	s10 =	sld [smem:$0x3FBB]  }
0x39: {  	_ = 	snop;
	(pc) =	sbr.ind lr, $3  }
0x3a: {  	_ = 	snop  }
0x3b: {  	_ = 	snop  }
0x3c: {  	p2 =	seq.s32 s10, $0x1;
	s10 =	sld [smem:$0x3FBA]  }
0x3d: {  	_ =	shalt  }
0x3e: {  	_ =	shalt  }
0x3f: {  	_ =	shalt  }
0x40: {  	_ =	shalt  }
0x41: {  	_ =	shalt  }
0x42: {  	_ =	shalt  }
0x43: {  	_ =	shalt  }
0x44: {  	_ =	shalt  }
0x45: {  	_ =	shalt  }
0x46: {  	_ =	shalt  }
0x47: {  	_ =	shalt  }
0x48: {  	_ =	shalt  }
0x49: {  	_ =	shalt  }
0x4a: {  	_ =	shalt  }
0x4b: {  	_ =	shalt  }
0x4c: {  	_ =	shalt  }
0x4d: {  	_ =	shalt  }
0x4e: {  	_ =	shalt  }
0x4f: {  	_ =	shalt  }
0x50: {  	_ =	shalt  }
0x51: {  	_ =	shalt  }
0x52: {  	_ =	shalt  }
0x53: {  	_ =	shalt  }
0x54: {  	_ =	shalt  }
0x55: {  	_ =	shalt  }
0x56: {  	_ =	shalt  }
0x57: {  	_ =	shalt  }
0x58: {  	_ =	shalt  }
0x59: {  	_ =	shalt  }
0x5a: {  	_ =	shalt  }
0x5b: {  	_ =	shalt  }
0x5c: {  	_ =	shalt  }
0x5d: {  	_ =	shalt  }
0x5e: {  	_ =	shalt  }
0x5f: {  	_ =	shalt  }
0x60: {  	_ =	shalt  }
0x61: {  	_ =	shalt  }
0x62: {  	_ =	shalt  }
0x63: {  	_ =	shalt  }
0x64: {  	_ =	shalt  }
0x65: {  	_ =	shalt  }
0x66: {  	_ =	shalt  }
0x67: {  	_ =	shalt  }
0x68: {  	_ =	shalt  }
0x69: {  	_ =	shalt  }
0x6a: {  	_ =	shalt  }
0x6b: {  	_ =	shalt  }
0x6c: {  	_ =	shalt  }
0x6d: {  	_ =	shalt  }
0x6e: {  	_ =	shalt  }
0x6f: {  	_ =	shalt  }
0x70: {  	_ =	shalt  }
0x71: {  	_ =	shalt  }
0x72: {  	_ =	shalt  }
0x73: {  	_ =	shalt  }
0x74: {  	_ =	shalt  }
0x75: {  	_ =	shalt  }
0x76: {  	_ =	shalt  }
0x77: {  	_ =	shalt  }
0x78: {  	_ =	shalt  }
0x79: {  	_ =	shalt  }
0x7a: {  	_ =	shalt  }
0x7b: {  	_ =	shalt  }
0x7c: {  	_ =	shalt  }
0x7d: {  	_ =	shalt  }
0x7e: {  	_ =	shalt  }
0x7f: {  	_ =	shalt  }
0x80: {  	_ =	shalt  }
0x81: {  	_ =	shalt  }
0x82: {  	_ =	shalt  }
0x83: {  	_ =	shalt  }
0x84: {  	_ =	shalt  }
0x85: {  	_ =	shalt  }
0x86: {  	_ =	shalt  }
0x87: {  	_ =	shalt  }
.Lfunc_end0:
.L_simem_size_0:
called_computation_lowered:
.L_overlay_start_0:
0x88: {  	s2 =	sld [smem:$0x3FD9]  }
0x89: {  	s3 =	sld [smem:$0x3FFE];
	_ =	sdelay $0x1  }
0x8a: {  	s1 =	srdreg.scid  }
0x8b: {  	s0 =	sand.u32 $0x1, s1  }
0x8c: {  	s14 =	sshll.u32 s0, $0xA;
	s2 =	sadd.s32 s3, s2  }
0x8d: {  	s2 =	sadd.s32 s2, s14  }
0x8e: {  	[smem:$0x3FC6] =	sst s2  }
0x8f: {  	_ = 	snop  }
0x90: {  	s2 =	sld [smem:$0x3FD0];
	_ =	sdelay $0x2  }
0x91: {  	s15 =	simm.s32 $0xA;
	s4 =	simm.s32 $0x10  }
0x92: {  	[smem:s4], [sflag:s15] =	dma.local [hbm:s2], $0x1  }
0x93: {  	_ =	swait.eq [sflag:s15], $0x1  }
0x94: {  	[sflag:s15] =	ssyncset.done $0x0  }
0x95: {  	[sflag:s15] =	ssyncadd.s32 $0xFFFFFFFF  }
0x96: {  	s16 =	sld [smem:$0x13];
	(tm) =	ssettm $0x1  }
0x97: {  	s17 =	sld [smem:$0x3FFB];
	_ =	sdelay $0x3  }
0x98: {  	_ =	strace s17  }
0x99: {  	s3 =	sld [smem:$0x3FFC];
	_ =	sdelay $0x3  }
0x9a: {  	_ =	strace s3  }
0x9b: {  	s3 =	sld [smem:$0x3FFD];
	_ =	sdelay $0x3  }
0x9c: {  	_ =	strace s3  }
0x9d: {  	_ =	strace $0x8FFFFFFF  }
0x9e: {  	s18 =	sld [smem:$0x3FDB];
	_ =	sdelay $0x1  }
0x9f: {  	s19 =	simm.s32 $_scs_section_size  }
0xa0: {  	s5 =	simm.s32 $_size__tile_overlayer_lowered;
	s6 =	simm.s32 $_tile_overlayer_lowered  }
0xa1: {  	s22 =	simm.s32 $0x1BFF;
	s21 =	sshll.u32 s6, $0x1;
	s3 =	sadd.s32 s19, s18  }
0xa2: {  	s7 =	simm.s32 $0x0;
	s20 =	sshll.u32 s5, $0x1;
	s5 =	sadd.s32 s21, s3  }
0xa3: {  	[timem:s7], [sflag:s22] =	dma.local [hbm:s5], s20  }
0xa4: {  	_ =	swait.ge [sflag:s22], s20  }
0xa5: {  	s4 =	ssub.s32 $0x0, s20;
	[sflag:s22] =	ssyncset.done $0x0  }
0xa6: {  	[sflag:s22] =	ssyncadd.s32 s4;
	_ =	sdelay $0x1  }
0xa7: {  	s23 =	simm.s32 $0x1B8B  }
0xa8: {  	_ =	swait.ge [sflag:s23], $0x1  }
0xa9: {  	[sflag:s23] =	ssyncset.done $0x0  }
0xaa: {  	s25 =	simm.s32 $0x1B8E;
	s24 =	sld [smem:$0x3FFE];
	[sflag:s23] =	ssyncadd.s32 $0xFFFFFFFF  }
0xab: {  	s26 =	simm.s32 $execute0_lowered;
	[smem:$0x3FD2] =	sst s25  }
0xac: {  	s5 =	sshll.u32 s26, $0x1;
	_ =	strace $0x80000046;
	[dreg:$0x1] =	wrdreg $0xFFFFFFFF  }
0xad: {  	s28 =	simm.s32 $_size_execute0_lowered;
	s3 =	sadd.s32 s3, s5;
	[dreg:$0x0] =	wrdreg $0x0  }
0xae: {  	s5 =	sshll.u32 s28, $0x1;
	[dreg:$0x2] =	wrdreg s3  }
0xaf: {  	[dreg:$0x3] =	wrdreg s5  }
0xb0: {  	[dreg:$0x4] =	wrdreg $0xC0  }
0xb1: {  	_ =	task [dreg:s7], $0x5FFFF  }
0xb2: {  	[dreg:$0x1] =	wrdreg $0xFFFFFFFF  }
0xb3: {  	[dreg:$0x0] =	wrdreg $0x60  }
0xb4: {  	[dreg:$0x2] =	wrdreg s16  }
0xb5: {  	[dreg:$0x3] =	wrdreg s24  }
0xb6: {  	[dreg:$0x4] =	wrdreg $0x9  }
0xb7: {  	_ =	task.clear_ibuf [dreg:s7], $0x5FFFF;
	_ =	strace $0x90000046  }
0xb8: {  	s29 =	simm.s32 $0x9;
	_ =	strace $0x80000048  }
0xb9: {  	_ =	swait.ge [sflag:s29], $0x1  }
0xba: {  	[sflag:s29] =	ssyncadd.s32 $0xFFFFFFFF  }
0xbb: {  	_ =	strace $0x90000048  }
0xbc: {  	_ =	sfence  }
0xbd: {  	s30 =	sld [smem:$0x0];
	_ =	sdelay $0x2  }
0xbe: {  	s31 =	sshll.u32 s1, $0xD;
	s1 =	sshrl.u32 s1, $0x2  }
0xbf: {  	s3 =	sand.u32 $0x4000, s31;
	s1 =	sadd.s32 s1, s30  }
0xc0: {  	s0 =	sor.u32 s3, s0;
	s1 =	sshll.u32 s1, $0x11  }
0xc1: {  	s0 =	sor.u32 s1, s0  }
0xc2: {  	s0 =	sadd.s32 $0x8F2B, s0  }
0xc3: {  	[sflag:s0] =	ssyncadd.remote.s32 $0x1  }
0xc4: {  	_ =	sfence.sel $0xFFFF  }
0xc5: {  	[dreg:$0x0] =	wrdreg $0xFFFFFFFF;
	(pc) =	sbr.abs _section_cstart, $3  }
0xc6: {  	[dreg:$0x1] =	wrdreg $0xFFFFFFFF  }
0xc7: {  	_ =	task.clear_ibuf [dreg:s7], $0x2FFFF;
	_ =	strace $0x9FFFFFFF  }
0xc8: {  	(tm) =	ssettm $0x7FFFFFFF  }
0xc9: {  	_ =	shalt  }
tec
execute0_lowered:
.L_overlay_start_1:
0x0: {  	(tag) =	ssettag $0x1  }
0x1: {  	s5 =	rddreg [dreg:$0x0]  }
0x2: {  	s2 =	rddreg [dreg:$0x1];
	s3 =	srdreg.scid  }
0x3: {  	s0 =	rddreg [dreg:$0x2];
	s1 =	simm.s32 $0x0;
	s3 =	sand.u32 $0x1, s3  }
0x4: {  	[smem:$0x7FF] =	sst s1;
	s4 =	sshll.u32 s3, $0x13  }
0x5: {  	_ =	strace $0x80000047;
	s6 =	ssub.s32 $0x2, s3;
	s3 =	sshll.u32 s3, $0xC  }
0x6: {  	s4 =	sadd.s32 s4, s2;
	s2 =	stileid.u32;
	s8 =	sshrl.u32 s6, $0x1  }
0x7: {  	v0 =	vlaneseq.u32;
	s7 =	sshll.u32 s2, $0x8;
	s30 =	sshll.u32 s2, $0xF;
	s6 =	ssub.s32 s6, s8  }
0x8: {  	v0 =	vmul.u32 $0x400, v0;
	s8 =	simm.s32 $0x0;
	s3 =	sor.u32 s7, s3;
	s4 =	sadd.s32 s30, s4  }
0x9: {  	v1 =	vimm.f32 $0.0e+00;
	v2 =	vimm.f32 $1.000000000e+00;
	s7 =	simm.s32 $0x80;
	s31 =	sshrl.u32 s3, $0x3;
	s3 =	smax.u32 s6, $0x1  }
0xa: {  	v3 =	vor.u32 $0x4000, v0;
	v4 =	vor.u32 $0x8000, v0;
	v5 =	vor.u32 $0xC000, v0;
	s4 =	sadd.s32 $0xA00, s4;
	s6 =	simm.s32 $0x1;
	s5 =	sadd.s32 s31, s5  }
.LBB2_1:
0xb: {  	s9 =	simm.s32 $0x0;
	s10 =	simm.s32 $0x200  }
.LBB2_2:
0xc: {  	p0 =	sne.s32 s10, $0x3FE00;
	[tilespmem:s9+$0xF0] =	vst v1  }
0xd: {  	[tilespmem:s9+$0x80] =	vst v1  }
0xe: {  	[tilespmem:s9+$0x90] =	vst v1  }
.Ltmp0:
0xf: {  	[tilespmem:s9+$0xA0] =	vst v1;
	(pc) =	sbr.rel @p0 .LBB2_2-.Ltmp0, $4  }
0x10: {  	[tilespmem:s9+$0xB0] =	vst v1  }
0x11: {  	[tilespmem:s9+$0xC0] =	vst v1  }
0x12: {  	[tilespmem:s9+$0xD0] =	vst v1  }
0x13: {  	[tilespmem:s9+$0xE0] =	vst v1;
	s9 =	sshra.s32 s10, $0x2;
	s10 =	sadd.s32 $0x200, s10  }
0x14: {  	[tilespmem:s9+$0xF0] =	vst v1  }
0x15: {  	[tilespmem:s9+$0x80] =	vst v1  }
0x16: {  	[tilespmem:s9+$0x90] =	vst v1  }
0x17: {  	[tilespmem:s9+$0xA0] =	vst v1  }
0x18: {  	[tilespmem:s9+$0xB0] =	vst v1  }
0x19: {  	[tilespmem:s9+$0xC0] =	vst v1  }
0x1a: {  	[tilespmem:s9+$0xD0] =	vst v1  }
0x1b: {  	[tilespmem:s9+$0xE0] =	vst v1;
	s9 =	simm.s32 $0x0;
	s10 =	smov.u32 s4  }
.LBB2_4:
0x1c: {  	s11 =	sadd.s32 s9, s5  }
0x1d: {  	[tilespmem:s1], [sflag:$0x1] =	stream.linear.gather [hbm4b:s11+s1], $0x40, $0x38;
	[tilespmem:$0x10080] =	vst v63  }
0x1e: {  	_ =	swait.ge [sflag:s6], $0x40  }
0x1f: {  	[sflag:s6] =	ssyncset.done $0x0  }
0x20: {  	[sflag:s6] =	ssyncadd.s32 $0xFFFFFFC0  }
0x21: {  	v6 =	vld [tilespmem:$0x0];
	_ =	sdelay $0x4  }
0x22: {  	v6 =	vadd.s32 v0, v6;
	_ =	sdelay $0x4  }
0x23: {  	[tilespmem:v6+s7+$0x0] =	vst.idx.msk $0xffff, v2  }
0x24: {  	v6 =	vld [tilespmem:$0x10];
	_ =	sdelay $0x4  }
0x25: {  	v6 =	vadd.s32 v3, v6;
	_ =	sdelay $0x4  }
0x26: {  	[tilespmem:v6+s7+$0x0] =	vst.idx.msk $0xffff, v2  }
0x27: {  	v6 =	vld [tilespmem:$0x20];
	_ =	sdelay $0x4  }
0x28: {  	v6 =	vadd.s32 v4, v6;
	_ =	sdelay $0x4  }
0x29: {  	[tilespmem:v6+s7+$0x0] =	vst.idx.msk $0xffff, v2  }
0x2a: {  	v6 =	vld [tilespmem:$0x30];
	_ =	sdelay $0x4  }
0x2b: {  	v6 =	vadd.s32 v5, v6;
	_ =	sdelay $0x4  }
0x2c: {  	[tilespmem:v6+s7+$0x0] =	vst.idx.msk $0xffff, v2  }
0x2d: {  	[hbm4b:s10+s1] =	stream.linear.scatter [tilespmem:s7], [sflag:$0x1], $0x10000, $0x38;
	[tilespmem:$0x10080] =	vst v63  }
0x2e: {  	_ =	swait.ge [sflag:s6], $0x10000  }
0x2f: {  	[sflag:s6] =	ssyncset.done $0x0  }
0x30: {  	[sflag:s6] =	ssyncadd.s32 $0xFFFF0000  }
0x31: {  	v6 =	vld [tilespmem:$0x0];
	_ =	sdelay $0x4  }
0x32: {  	v6 =	vadd.s32 v0, v6;
	_ =	sdelay $0x4  }
0x33: {  	[tilespmem:v6+s7+$0x0] =	vst.idx.msk $0xffff, v1  }
0x34: {  	v6 =	vld [tilespmem:$0x10];
	_ =	sdelay $0x4  }
0x35: {  	v6 =	vadd.s32 v3, v6;
	_ =	sdelay $0x4  }
0x36: {  	[tilespmem:v6+s7+$0x0] =	vst.idx.msk $0xffff, v1  }
0x37: {  	v6 =	vld [tilespmem:$0x20];
	_ =	sdelay $0x4  }
0x38: {  	v6 =	vadd.s32 v4, v6;
	_ =	sdelay $0x4  }
0x39: {  	[tilespmem:v6+s7+$0x0] =	vst.idx.msk $0xffff, v1  }
0x3a: {  	v6 =	vld [tilespmem:$0x30];
	_ =	sdelay $0x4  }
0x3b: {  	p0 =	sne.s32 s9, $0x18;
	v6 =	vadd.s32 v5, v6  }
.Ltmp1:
0x3c: {  	_ = 	snop;
	(pc) =	sbr.rel @p0 .LBB2_4-.Ltmp1, $2  }
0x3d: {  	_ =	sdelay $0x2  }
0x3e: {  	s9 =	sadd.s32 $0x8, s9;
	s10 =	sadd.s32 $0x2000, s10;
	[tilespmem:v6+s7+$0x0] =	vst.idx.msk $0xffff, v1  }
0x3f: {  	s8 =	sadd.s32 $0x1, s8  }
0x40: {  	p0 =	sne.s32 s8, s3  }
.Ltmp2:
0x41: {  	_ = 	snop;
	(pc) =	sbr.rel @p0 .LBB2_1-.Ltmp2, $1  }
0x42: {  	_ =	sdelay $0x3  }
0x43: {  	_ =	sfence.sel $0x180000  }
0x44: {  	[bflag:$0x0] =	sbarrier.arrive $0xFFFF  }
0x45: {  	p0 =	sne.s32 s2, $0x0;
	_ =	strace $0x90000047  }
0x46: {  	s0 =	sadd.s32 @!p0 $0x100000, s0;
	[bflag:$0x2] =	sbarrier.arrive $0xFFFF  }
0x47: {  	[sflag:s0] =	ssyncadd.tile.s32 @!p0 $0x1;
	_ =	shalt  }
.Lfunc_end2:
_tile_overlayer_lowered:
.L_overlay_start_2:
0x48: {  	(tag) =	ssettag $0x2  }
0x49: {  	s0 =	rddreg [dreg:$0x0];
	s2 =	stileid.u32  }
0x4a: {  	s1 =	rddreg [dreg:$0x1];
	p0 =	sne.s32 s2, $0x0  }
0x4b: {  	s3 =	rddreg [dreg:$0x2];
	[bflag:$0x3] =	sbarrier.arrive $0xFFFF;
	s2 =	simm.s32 @!p0 $0x1C01  }
0x4c: {  	[timem:s3], [sflag:s2] =	dma.local @!p0 [hbm:s0], s1  }
0x4d: {  	s0 =	simm.s32 @!p0 $0x1  }
0x4e: {  	_ =	swait.ge @!p0 [sflag:s0], s1  }
0x4f: {  	s1 =	ssub.s32 @!p0 $0x0, s1;
	[sflag:s0] =	ssyncset.done @!p0 $0x0  }
0x50: {  	[sflag:s0] =	ssyncadd.s32 @!p0 s1  }
0x51: {  	[bflag:$0x3] =	sbarrier.arrive $0xFFFF  }
0x52: {  	_ =	shalt  }

</sc_bundles>
